<compile_context>
chip_gen: v7x
topology: tpu7x:2x2x1
jax: 0.10.2.dev20260603
libtpu: 0.0.44.dev20260713+nightly
codegen_flags: <defaults>
</compile_context>

<pallas_src>
import functools

import jax
import jax.numpy as jnp
from jax import lax
from jax.experimental import pallas as pl
from jax.experimental.pallas import tpu as pltpu
from jax.experimental.pallas import tpu_sc as plsc

STREAM_CHUNKS = (120,)
SP_ROWS = 8


def kernel(x, pos_emb):
    B, S = x.shape
    D = pos_emb.shape[1]

    info = plsc.get_sparse_core_info()
    NC, NS = info.num_cores, info.num_subcores
    NW = NC * NS
    rows_per_w = S // NW
    assert rows_per_w == sum(STREAM_CHUNKS) + SP_ROWS
    starts = [0]
    sp_start = sum(STREAM_CHUNKS)

    mesh = plsc.VectorSubcoreMesh(core_axis_name="c", subcore_axis_name="s")

    @functools.partial(
        pl.kernel,
        out_type=jax.ShapeDtypeStruct((B, S, D), jnp.float32),
        mesh=mesh,
        scratch_types=[
            pltpu.VMEM((STREAM_CHUNKS[0], D), jnp.float32),
            pltpu.VMEM_SHARED((NS * SP_ROWS, D), jnp.float32),
            pltpu.SemaphoreType.DMA,
            pltpu.SemaphoreType.DMA,
            pltpu.SemaphoreType.DMA,
            pltpu.SemaphoreType.DMA,
        ],
    )
    def body(pos_hbm, out_hbm, tbuf0, spbuf,
             rsem0, rsem_sp, wsem0, wsem_sp):
        sid = lax.axis_index("s")
        wid = sid * NC + lax.axis_index("c")
        base = wid * rows_per_w
        tbufs = (tbuf0,)
        rsems = (rsem0,)
        wsems = (wsem0,)
        spslice = spbuf.at[pl.ds(sid * SP_ROWS, SP_ROWS)]

        sp_read = pltpu.make_async_copy(
            pos_hbm.at[pl.ds(base + sp_start, SP_ROWS)], spslice, rsem_sp)
        sp_read.start()
        reads = []
        for c in range(len(STREAM_CHUNKS)):
            cp = pltpu.make_async_copy(
                pos_hbm.at[pl.ds(base + starts[c], STREAM_CHUNKS[c])],
                tbufs[c], rsems[c])
            cp.start()
            reads.append(cp)

        writes = []
        reads[0].wait()
        for b in range(B):
            cp = pltpu.make_async_copy(
                tbufs[0], out_hbm.at[b, pl.ds(base + starts[0], STREAM_CHUNKS[0])],
                wsems[0])
            cp.start()
            writes.append(cp)
        sp_read.wait()
        for b in range(B):
            cp = pltpu.make_async_copy(
                spslice, out_hbm.at[b, pl.ds(base + sp_start, SP_ROWS)],
                wsem_sp)
            cp.start()
            writes.append(cp)
        for cp in writes:
            cp.wait()

    return body(pos_emb)

# --- scband reference (transcript-rebuilt; emitter-appended) ---
"""Pipeline reference for scband-positional-embedding-26620207300899 (READ-ONLY COPY).

The authoritative reference and input builder live on the scoring server;
editing this copy changes nothing except your own understanding.
"""

import jax, jax.numpy as jnp
import numpy as np

D_MODEL = 1024
MAX_LEN = 8192
BATCH = 4
SEQ_LEN = 4096


def setup_inputs(seed: int = 0) -> dict:
    key = jax.random.key(seed)
    k1, k2 = jax.random.split(key)
    x = jax.random.randint(k1, (BATCH, SEQ_LEN), 0, MAX_LEN, dtype=jnp.int64 if jax.config.jax_enable_x64 else jnp.int32)
    pos_emb = jax.random.normal(k2, (MAX_LEN, D_MODEL), dtype=jnp.float32) * 0.02
    return {"x": x, "pos_emb": pos_emb}


def reference(x, pos_emb):
    # BERT-style learnable absolute positional embeddings.
    seq_len = x.shape[1]
    # position_ids = arange(seq_len) broadcast to x's shape [B, S]
    position_ids = jnp.arange(seq_len, dtype=jnp.int32)
    position_ids = jnp.broadcast_to(position_ids[None, :], x.shape)
    # embedding lookup -> [B, S, d_model]
    return jnp.take(pos_emb, position_ids, axis=0)

if __name__ == "__main__":
    import jax
    _d = setup_inputs()
    print(jax.jit(kernel)(*tuple(_d.values())))

</pallas_src>

<mosaic_0001>
#map = affine_map<(d0, d1) -> (0, 0)>
#map1 = affine_map<(d0, d1) -> (0, 0, 0)>
module attributes {stable_mosaic.version = 14 : i64} {
  func.func @body(%arg0: i32, %arg1: i32, %arg2: memref<8192x1024xf32, #tpu.memory_space<hbm>>, %arg3: memref<4x4096x1024xf32, #tpu.memory_space<hbm>>, %arg4: memref<120x1024xf32, #tpu.memory_space<vmem>>, %arg5: memref<128x1024xf32, #tpu.memory_space<vmem_shared>>, %arg6: memref<!tpu.dma_semaphore, #tpu.memory_space<semaphore_mem>>, %arg7: memref<!tpu.dma_semaphore, #tpu.memory_space<semaphore_mem>>, %arg8: memref<!tpu.dma_semaphore, #tpu.memory_space<semaphore_mem>>, %arg9: memref<!tpu.dma_semaphore, #tpu.memory_space<semaphore_mem>>) attributes {dimension_semantics = [#tpu.dimension_semantics<core_parallel>, #tpu.dimension_semantics<subcore_parallel>], iteration_bounds = array<i64: 2, 16>, scalar_prefetch = 0 : i64, scratch_operands = 6 : i64, tpu.core_type = #tpu.core_type<sc_vector_subcore>, window_params = [{transform_indices = #map}, {transform_indices = #map1}]} {
    %mul3A = arith.constant 2 : i32
    %mul3A_0 = arith.muli %arg1, %mul3A : i32
    %add3A = arith.addi %mul3A_0, %arg0 : i32
    %mul3A_1 = arith.constant 128 : i32
    %mul3A_2 = arith.muli %add3A, %mul3A_1 : i32
    %mul3A_3 = arith.constant 8 : i32
    %mul3A_4 = arith.muli %arg1, %mul3A_3 : i32
    %add3A_5 = arith.constant 120 : i32
    %add3A_6 = arith.addi %mul3A_2, %add3A_5 : i32
    %dma_start3A = arith.constant 0 : i32
    %dma_start3A_7 = tpu.memref_slice %arg5[%mul3A_4, %dma_start3A] : memref<128x1024xf32, #tpu.memory_space<vmem_shared>> -> memref<8x1024xf32, #tpu.memory_space<vmem_shared>>
    %dma_start3A_8 = arith.constant 0 : i32
    %dma_start3A_9 = tpu.memref_slice %arg2[%add3A_6, %dma_start3A_8] : memref<8192x1024xf32, #tpu.memory_space<hbm>> -> memref<8x1024xf32, #tpu.memory_space<hbm>>
    tpu.enqueue_dma source(%dma_start3A_9 : memref<8x1024xf32, #tpu.memory_space<hbm>>) target(%dma_start3A_7 : memref<8x1024xf32, #tpu.memory_space<vmem_shared>>) target_semaphore(%arg7 : memref<!tpu.dma_semaphore, #tpu.memory_space<semaphore_mem>>)
    %add3A_10 = arith.constant 0 : i32
    %add3A_11 = arith.addi %mul3A_2, %add3A_10 : i32
    %dma_start3A_12 = arith.constant 0 : i32
    %dma_start3A_13 = tpu.memref_slice %arg2[%add3A_11, %dma_start3A_12] : memref<8192x1024xf32, #tpu.memory_space<hbm>> -> memref<120x1024xf32, #tpu.memory_space<hbm>>
    %dma_start3A_14 = arith.constant 0 : i32
    %dma_start3A_15 = tpu.memref_slice %arg2[%add3A_11, %dma_start3A_14] : memref<8192x1024xf32, #tpu.memory_space<hbm>> -> memref<120x1024xf32, #tpu.memory_space<hbm>>
    tpu.enqueue_dma source(%dma_start3A_15 : memref<120x1024xf32, #tpu.memory_space<hbm>>) target(%arg4 : memref<120x1024xf32, #tpu.memory_space<vmem>>) target_semaphore(%arg6 : memref<!tpu.dma_semaphore, #tpu.memory_space<semaphore_mem>>)
    %dma_wait3A = arith.constant 0 : i32
    %dma_wait3A_16 = tpu.memref_slice %arg2[%add3A_11, %dma_wait3A] : memref<8192x1024xf32, #tpu.memory_space<hbm>> -> memref<120x1024xf32, #tpu.memory_space<hbm>>
    %dma_wait3A_17 = arith.constant 0 : i32
    %dma_wait3A_18 = tpu.memref_slice %arg2[%add3A_11, %dma_wait3A_17] : memref<8192x1024xf32, #tpu.memory_space<hbm>> -> memref<120x1024xf32, #tpu.memory_space<hbm>>
    tpu.wait_dma2 semaphore(%arg6 : memref<!tpu.dma_semaphore, #tpu.memory_space<semaphore_mem>>) src(%dma_wait3A_18 : memref<120x1024xf32, #tpu.memory_space<hbm>>) dst(%arg4 : memref<120x1024xf32, #tpu.memory_space<vmem>>)
    %add3A_19 = arith.constant 0 : i32
    %add3A_20 = arith.addi %mul3A_2, %add3A_19 : i32
    %dma_start3A_21 = arith.constant 0 : i32
    %dma_start3A_22 = arith.constant 0 : i32
    %dma_start3A_23 = tpu.memref_slice %arg3[%dma_start3A_21, %add3A_20, %dma_start3A_22] : memref<4x4096x1024xf32, #tpu.memory_space<hbm>> -> memref<1x120x1024xf32, #tpu.memory_space<hbm>>
    %dma_start3A_24 = tpu.memref_squeeze %dma_start3A_23 : memref<1x120x1024xf32, #tpu.memory_space<hbm>> -> memref<120x1024xf32, #tpu.memory_space<hbm>>
    %dma_start3A_25 = arith.constant 0 : i32
    %dma_start3A_26 = tpu.memref_slice %arg3[%dma_start3A_21, %add3A_20, %dma_start3A_25] : memref<4x4096x1024xf32, #tpu.memory_space<hbm>> -> memref<1x120x1024xf32, #tpu.memory_space<hbm>>
    %dma_start3A_27 = tpu.memref_squeeze %dma_start3A_26 : memref<1x120x1024xf32, #tpu.memory_space<hbm>> -> memref<120x1024xf32, #tpu.memory_space<hbm>>
    tpu.enqueue_dma source(%arg4 : memref<120x1024xf32, #tpu.memory_space<vmem>>) target(%dma_start3A_27 : memref<120x1024xf32, #tpu.memory_space<hbm>>) target_semaphore(%arg8 : memref<!tpu.dma_semaphore, #tpu.memory_space<semaphore_mem>>)
    %add3A_28 = arith.constant 0 : i32
    %add3A_29 = arith.addi %mul3A_2, %add3A_28 : i32
    %dma_start3A_30 = arith.constant 1 : i32
    %dma_start3A_31 = arith.constant 0 : i32
    %dma_start3A_32 = tpu.memref_slice %arg3[%dma_start3A_30, %add3A_29, %dma_start3A_31] : memref<4x4096x1024xf32, #tpu.memory_space<hbm>> -> memref<1x120x1024xf32, #tpu.memory_space<hbm>>
    %dma_start3A_33 = tpu.memref_squeeze %dma_start3A_32 : memref<1x120x1024xf32, #tpu.memory_space<hbm>> -> memref<120x1024xf32, #tpu.memory_space<hbm>>
    %dma_start3A_34 = arith.constant 0 : i32
    %dma_start3A_35 = tpu.memref_slice %arg3[%dma_start3A_30, %add3A_29, %dma_start3A_34] : memref<4x4096x1024xf32, #tpu.memory_space<hbm>> -> memref<1x120x1024xf32, #tpu.memory_space<hbm>>
    %dma_start3A_36 = tpu.memref_squeeze %dma_start3A_35 : memref<1x120x1024xf32, #tpu.memory_space<hbm>> -> memref<120x1024xf32, #tpu.memory_space<hbm>>
    tpu.enqueue_dma source(%arg4 : memref<120x1024xf32, #tpu.memory_space<vmem>>) target(%dma_start3A_36 : memref<120x1024xf32, #tpu.memory_space<hbm>>) target_semaphore(%arg8 : memref<!tpu.dma_semaphore, #tpu.memory_space<semaphore_mem>>)
    %add3A_37 = arith.constant 0 : i32
    %add3A_38 = arith.addi %mul3A_2, %add3A_37 : i32
    %dma_start3A_39 = arith.constant 2 : i32
    %dma_start3A_40 = arith.constant 0 : i32
    %dma_start3A_41 = tpu.memref_slice %arg3[%dma_start3A_39, %add3A_38, %dma_start3A_40] : memref<4x4096x1024xf32, #tpu.memory_space<hbm>> -> memref<1x120x1024xf32, #tpu.memory_space<hbm>>
    %dma_start3A_42 = tpu.memref_squeeze %dma_start3A_41 : memref<1x120x1024xf32, #tpu.memory_space<hbm>> -> memref<120x1024xf32, #tpu.memory_space<hbm>>
    %dma_start3A_43 = arith.constant 0 : i32
    %dma_start3A_44 = tpu.memref_slice %arg3[%dma_start3A_39, %add3A_38, %dma_start3A_43] : memref<4x4096x1024xf32, #tpu.memory_space<hbm>> -> memref<1x120x1024xf32, #tpu.memory_space<hbm>>
    %dma_start3A_45 = tpu.memref_squeeze %dma_start3A_44 : memref<1x120x1024xf32, #tpu.memory_space<hbm>> -> memref<120x1024xf32, #tpu.memory_space<hbm>>
    tpu.enqueue_dma source(%arg4 : memref<120x1024xf32, #tpu.memory_space<vmem>>) target(%dma_start3A_45 : memref<120x1024xf32, #tpu.memory_space<hbm>>) target_semaphore(%arg8 : memref<!tpu.dma_semaphore, #tpu.memory_space<semaphore_mem>>)
    %add3A_46 = arith.constant 0 : i32
    %add3A_47 = arith.addi %mul3A_2, %add3A_46 : i32
    %dma_start3A_48 = arith.constant 3 : i32
    %dma_start3A_49 = arith.constant 0 : i32
    %dma_start3A_50 = tpu.memref_slice %arg3[%dma_start3A_48, %add3A_47, %dma_start3A_49] : memref<4x4096x1024xf32, #tpu.memory_space<hbm>> -> memref<1x120x1024xf32, #tpu.memory_space<hbm>>
    %dma_start3A_51 = tpu.memref_squeeze %dma_start3A_50 : memref<1x120x1024xf32, #tpu.memory_space<hbm>> -> memref<120x1024xf32, #tpu.memory_space<hbm>>
    %dma_start3A_52 = arith.constant 0 : i32
    %dma_start3A_53 = tpu.memref_slice %arg3[%dma_start3A_48, %add3A_47, %dma_start3A_52] : memref<4x4096x1024xf32, #tpu.memory_space<hbm>> -> memref<1x120x1024xf32, #tpu.memory_space<hbm>>
    %dma_start3A_54 = tpu.memref_squeeze %dma_start3A_53 : memref<1x120x1024xf32, #tpu.memory_space<hbm>> -> memref<120x1024xf32, #tpu.memory_space<hbm>>
    tpu.enqueue_dma source(%arg4 : memref<120x1024xf32, #tpu.memory_space<vmem>>) target(%dma_start3A_54 : memref<120x1024xf32, #tpu.memory_space<hbm>>) target_semaphore(%arg8 : memref<!tpu.dma_semaphore, #tpu.memory_space<semaphore_mem>>)
    %dma_wait3A_55 = arith.constant 0 : i32
    %dma_wait3A_56 = tpu.memref_slice %arg5[%mul3A_4, %dma_wait3A_55] : memref<128x1024xf32, #tpu.memory_space<vmem_shared>> -> memref<8x1024xf32, #tpu.memory_space<vmem_shared>>
    %dma_wait3A_57 = arith.constant 0 : i32
    %dma_wait3A_58 = tpu.memref_slice %arg2[%add3A_6, %dma_wait3A_57] : memref<8192x1024xf32, #tpu.memory_space<hbm>> -> memref<8x1024xf32, #tpu.memory_space<hbm>>
    tpu.wait_dma2 semaphore(%arg7 : memref<!tpu.dma_semaphore, #tpu.memory_space<semaphore_mem>>) src(%dma_wait3A_58 : memref<8x1024xf32, #tpu.memory_space<hbm>>) dst(%dma_wait3A_56 : memref<8x1024xf32, #tpu.memory_space<vmem_shared>>)
    %add3A_59 = arith.constant 120 : i32
    %add3A_60 = arith.addi %mul3A_2, %add3A_59 : i32
    %dma_start3A_61 = arith.constant 0 : i32
    %dma_start3A_62 = arith.constant 0 : i32
    %dma_start3A_63 = tpu.memref_slice %arg3[%dma_start3A_61, %add3A_60, %dma_start3A_62] : memref<4x4096x1024xf32, #tpu.memory_space<hbm>> -> memref<1x8x1024xf32, #tpu.memory_space<hbm>>
    %dma_start3A_64 = tpu.memref_squeeze %dma_start3A_63 : memref<1x8x1024xf32, #tpu.memory_space<hbm>> -> memref<8x1024xf32, #tpu.memory_space<hbm>>
    %dma_start3A_65 = arith.constant 0 : i32
    %dma_start3A_66 = tpu.memref_slice %arg5[%mul3A_4, %dma_start3A_65] : memref<128x1024xf32, #tpu.memory_space<vmem_shared>> -> memref<8x1024xf32, #tpu.memory_space<vmem_shared>>
    tpu.enqueue_dma source(%dma_start3A_66 : memref<8x1024xf32, #tpu.memory_space<vmem_shared>>) target(%dma_start3A_64 : memref<8x1024xf32, #tpu.memory_space<hbm>>) target_semaphore(%arg9 : memref<!tpu.dma_semaphore, #tpu.memory_space<semaphore_mem>>)
    %add3A_67 = arith.constant 120 : i32
    %add3A_68 = arith.addi %mul3A_2, %add3A_67 : i32
    %dma_start3A_69 = arith.constant 1 : i32
    %dma_start3A_70 = arith.constant 0 : i32
    %dma_start3A_71 = tpu.memref_slice %arg3[%dma_start3A_69, %add3A_68, %dma_start3A_70] : memref<4x4096x1024xf32, #tpu.memory_space<hbm>> -> memref<1x8x1024xf32, #tpu.memory_space<hbm>>
    %dma_start3A_72 = tpu.memref_squeeze %dma_start3A_71 : memref<1x8x1024xf32, #tpu.memory_space<hbm>> -> memref<8x1024xf32, #tpu.memory_space<hbm>>
    %dma_start3A_73 = arith.constant 0 : i32
    %dma_start3A_74 = tpu.memref_slice %arg5[%mul3A_4, %dma_start3A_73] : memref<128x1024xf32, #tpu.memory_space<vmem_shared>> -> memref<8x1024xf32, #tpu.memory_space<vmem_shared>>
    tpu.enqueue_dma source(%dma_start3A_74 : memref<8x1024xf32, #tpu.memory_space<vmem_shared>>) target(%dma_start3A_72 : memref<8x1024xf32, #tpu.memory_space<hbm>>) target_semaphore(%arg9 : memref<!tpu.dma_semaphore, #tpu.memory_space<semaphore_mem>>)
    %add3A_75 = arith.constant 120 : i32
    %add3A_76 = arith.addi %mul3A_2, %add3A_75 : i32
    %dma_start3A_77 = arith.constant 2 : i32
    %dma_start3A_78 = arith.constant 0 : i32
    %dma_start3A_79 = tpu.memref_slice %arg3[%dma_start3A_77, %add3A_76, %dma_start3A_78] : memref<4x4096x1024xf32, #tpu.memory_space<hbm>> -> memref<1x8x1024xf32, #tpu.memory_space<hbm>>
    %dma_start3A_80 = tpu.memref_squeeze %dma_start3A_79 : memref<1x8x1024xf32, #tpu.memory_space<hbm>> -> memref<8x1024xf32, #tpu.memory_space<hbm>>
    %dma_start3A_81 = arith.constant 0 : i32
    %dma_start3A_82 = tpu.memref_slice %arg5[%mul3A_4, %dma_start3A_81] : memref<128x1024xf32, #tpu.memory_space<vmem_shared>> -> memref<8x1024xf32, #tpu.memory_space<vmem_shared>>
    tpu.enqueue_dma source(%dma_start3A_82 : memref<8x1024xf32, #tpu.memory_space<vmem_shared>>) target(%dma_start3A_80 : memref<8x1024xf32, #tpu.memory_space<hbm>>) target_semaphore(%arg9 : memref<!tpu.dma_semaphore, #tpu.memory_space<semaphore_mem>>)
    %add3A_83 = arith.constant 120 : i32
    %add3A_84 = arith.addi %mul3A_2, %add3A_83 : i32
    %dma_start3A_85 = arith.constant 3 : i32
    %dma_start3A_86 = arith.constant 0 : i32
    %dma_start3A_87 = tpu.memref_slice %arg3[%dma_start3A_85, %add3A_84, %dma_start3A_86] : memref<4x4096x1024xf32, #tpu.memory_space<hbm>> -> memref<1x8x1024xf32, #tpu.memory_space<hbm>>
    %dma_start3A_88 = tpu.memref_squeeze %dma_start3A_87 : memref<1x8x1024xf32, #tpu.memory_space<hbm>> -> memref<8x1024xf32, #tpu.memory_space<hbm>>
    %dma_start3A_89 = arith.constant 0 : i32
    %dma_start3A_90 = tpu.memref_slice %arg5[%mul3A_4, %dma_start3A_89] : memref<128x1024xf32, #tpu.memory_space<vmem_shared>> -> memref<8x1024xf32, #tpu.memory_space<vmem_shared>>
    tpu.enqueue_dma source(%dma_start3A_90 : memref<8x1024xf32, #tpu.memory_space<vmem_shared>>) target(%dma_start3A_88 : memref<8x1024xf32, #tpu.memory_space<hbm>>) target_semaphore(%arg9 : memref<!tpu.dma_semaphore, #tpu.memory_space<semaphore_mem>>)
    %dma_wait3A_91 = arith.constant 0 : i32
    %dma_wait3A_92 = arith.constant 0 : i32
    %dma_wait3A_93 = tpu.memref_slice %arg3[%dma_wait3A_91, %add3A_20, %dma_wait3A_92] : memref<4x4096x1024xf32, #tpu.memory_space<hbm>> -> memref<1x120x1024xf32, #tpu.memory_space<hbm>>
    %dma_wait3A_94 = tpu.memref_squeeze %dma_wait3A_93 : memref<1x120x1024xf32, #tpu.memory_space<hbm>> -> memref<120x1024xf32, #tpu.memory_space<hbm>>
    %dma_wait3A_95 = arith.constant 0 : i32
    %dma_wait3A_96 = tpu.memref_slice %arg3[%dma_wait3A_91, %add3A_20, %dma_wait3A_95] : memref<4x4096x1024xf32, #tpu.memory_space<hbm>> -> memref<1x120x1024xf32, #tpu.memory_space<hbm>>
    %dma_wait3A_97 = tpu.memref_squeeze %dma_wait3A_96 : memref<1x120x1024xf32, #tpu.memory_space<hbm>> -> memref<120x1024xf32, #tpu.memory_space<hbm>>
    tpu.wait_dma2 semaphore(%arg8 : memref<!tpu.dma_semaphore, #tpu.memory_space<semaphore_mem>>) src(%arg4 : memref<120x1024xf32, #tpu.memory_space<vmem>>) dst(%dma_wait3A_97 : memref<120x1024xf32, #tpu.memory_space<hbm>>)
    %dma_wait3A_98 = arith.constant 1 : i32
    %dma_wait3A_99 = arith.constant 0 : i32
    %dma_wait3A_100 = tpu.memref_slice %arg3[%dma_wait3A_98, %add3A_29, %dma_wait3A_99] : memref<4x4096x1024xf32, #tpu.memory_space<hbm>> -> memref<1x120x1024xf32, #tpu.memory_space<hbm>>
    %dma_wait3A_101 = tpu.memref_squeeze %dma_wait3A_100 : memref<1x120x1024xf32, #tpu.memory_space<hbm>> -> memref<120x1024xf32, #tpu.memory_space<hbm>>
    %dma_wait3A_102 = arith.constant 0 : i32
    %dma_wait3A_103 = tpu.memref_slice %arg3[%dma_wait3A_98, %add3A_29, %dma_wait3A_102] : memref<4x4096x1024xf32, #tpu.memory_space<hbm>> -> memref<1x120x1024xf32, #tpu.memory_space<hbm>>
    %dma_wait3A_104 = tpu.memref_squeeze %dma_wait3A_103 : memref<1x120x1024xf32, #tpu.memory_space<hbm>> -> memref<120x1024xf32, #tpu.memory_space<hbm>>
    tpu.wait_dma2 semaphore(%arg8 : memref<!tpu.dma_semaphore, #tpu.memory_space<semaphore_mem>>) src(%arg4 : memref<120x1024xf32, #tpu.memory_space<vmem>>) dst(%dma_wait3A_104 : memref<120x1024xf32, #tpu.memory_space<hbm>>)
    %dma_wait3A_105 = arith.constant 2 : i32
    %dma_wait3A_106 = arith.constant 0 : i32
    %dma_wait3A_107 = tpu.memref_slice %arg3[%dma_wait3A_105, %add3A_38, %dma_wait3A_106] : memref<4x4096x1024xf32, #tpu.memory_space<hbm>> -> memref<1x120x1024xf32, #tpu.memory_space<hbm>>
    %dma_wait3A_108 = tpu.memref_squeeze %dma_wait3A_107 : memref<1x120x1024xf32, #tpu.memory_space<hbm>> -> memref<120x1024xf32, #tpu.memory_space<hbm>>
    %dma_wait3A_109 = arith.constant 0 : i32
    %dma_wait3A_110 = tpu.memref_slice %arg3[%dma_wait3A_105, %add3A_38, %dma_wait3A_109] : memref<4x4096x1024xf32, #tpu.memory_space<hbm>> -> memref<1x120x1024xf32, #tpu.memory_space<hbm>>
    %dma_wait3A_111 = tpu.memref_squeeze %dma_wait3A_110 : memref<1x120x1024xf32, #tpu.memory_space<hbm>> -> memref<120x1024xf32, #tpu.memory_space<hbm>>
    tpu.wait_dma2 semaphore(%arg8 : memref<!tpu.dma_semaphore, #tpu.memory_space<semaphore_mem>>) src(%arg4 : memref<120x1024xf32, #tpu.memory_space<vmem>>) dst(%dma_wait3A_111 : memref<120x1024xf32, #tpu.memory_space<hbm>>)
    %dma_wait3A_112 = arith.constant 3 : i32
    %dma_wait3A_113 = arith.constant 0 : i32
    %dma_wait3A_114 = tpu.memref_slice %arg3[%dma_wait3A_112, %add3A_47, %dma_wait3A_113] : memref<4x4096x1024xf32, #tpu.memory_space<hbm>> -> memref<1x120x1024xf32, #tpu.memory_space<hbm>>
    %dma_wait3A_115 = tpu.memref_squeeze %dma_wait3A_114 : memref<1x120x1024xf32, #tpu.memory_space<hbm>> -> memref<120x1024xf32, #tpu.memory_space<hbm>>
    %dma_wait3A_116 = arith.constant 0 : i32
    %dma_wait3A_117 = tpu.memref_slice %arg3[%dma_wait3A_112, %add3A_47, %dma_wait3A_116] : memref<4x4096x1024xf32, #tpu.memory_space<hbm>> -> memref<1x120x1024xf32, #tpu.memory_space<hbm>>
    %dma_wait3A_118 = tpu.memref_squeeze %dma_wait3A_117 : memref<1x120x1024xf32, #tpu.memory_space<hbm>> -> memref<120x1024xf32, #tpu.memory_space<hbm>>
    tpu.wait_dma2 semaphore(%arg8 : memref<!tpu.dma_semaphore, #tpu.memory_space<semaphore_mem>>) src(%arg4 : memref<120x1024xf32, #tpu.memory_space<vmem>>) dst(%dma_wait3A_118 : memref<120x1024xf32, #tpu.memory_space<hbm>>)
    %dma_wait3A_119 = arith.constant 0 : i32
    %dma_wait3A_120 = arith.constant 0 : i32
    %dma_wait3A_121 = tpu.memref_slice %arg3[%dma_wait3A_119, %add3A_60, %dma_wait3A_120] : memref<4x4096x1024xf32, #tpu.memory_space<hbm>> -> memref<1x8x1024xf32, #tpu.memory_space<hbm>>
    %dma_wait3A_122 = tpu.memref_squeeze %dma_wait3A_121 : memref<1x8x1024xf32, #tpu.memory_space<hbm>> -> memref<8x1024xf32, #tpu.memory_space<hbm>>
    %dma_wait3A_123 = arith.constant 0 : i32
    %dma_wait3A_124 = tpu.memref_slice %arg5[%mul3A_4, %dma_wait3A_123] : memref<128x1024xf32, #tpu.memory_space<vmem_shared>> -> memref<8x1024xf32, #tpu.memory_space<vmem_shared>>
    tpu.wait_dma2 semaphore(%arg9 : memref<!tpu.dma_semaphore, #tpu.memory_space<semaphore_mem>>) src(%dma_wait3A_124 : memref<8x1024xf32, #tpu.memory_space<vmem_shared>>) dst(%dma_wait3A_122 : memref<8x1024xf32, #tpu.memory_space<hbm>>)
    %dma_wait3A_125 = arith.constant 1 : i32
    %dma_wait3A_126 = arith.constant 0 : i32
    %dma_wait3A_127 = tpu.memref_slice %arg3[%dma_wait3A_125, %add3A_68, %dma_wait3A_126] : memref<4x4096x1024xf32, #tpu.memory_space<hbm>> -> memref<1x8x1024xf32, #tpu.memory_space<hbm>>
    %dma_wait3A_128 = tpu.memref_squeeze %dma_wait3A_127 : memref<1x8x1024xf32, #tpu.memory_space<hbm>> -> memref<8x1024xf32, #tpu.memory_space<hbm>>
    %dma_wait3A_129 = arith.constant 0 : i32
    %dma_wait3A_130 = tpu.memref_slice %arg5[%mul3A_4, %dma_wait3A_129] : memref<128x1024xf32, #tpu.memory_space<vmem_shared>> -> memref<8x1024xf32, #tpu.memory_space<vmem_shared>>
    tpu.wait_dma2 semaphore(%arg9 : memref<!tpu.dma_semaphore, #tpu.memory_space<semaphore_mem>>) src(%dma_wait3A_130 : memref<8x1024xf32, #tpu.memory_space<vmem_shared>>) dst(%dma_wait3A_128 : memref<8x1024xf32, #tpu.memory_space<hbm>>)
    %dma_wait3A_131 = arith.constant 2 : i32
    %dma_wait3A_132 = arith.constant 0 : i32
    %dma_wait3A_133 = tpu.memref_slice %arg3[%dma_wait3A_131, %add3A_76, %dma_wait3A_132] : memref<4x4096x1024xf32, #tpu.memory_space<hbm>> -> memref<1x8x1024xf32, #tpu.memory_space<hbm>>
    %dma_wait3A_134 = tpu.memref_squeeze %dma_wait3A_133 : memref<1x8x1024xf32, #tpu.memory_space<hbm>> -> memref<8x1024xf32, #tpu.memory_space<hbm>>
    %dma_wait3A_135 = arith.constant 0 : i32
    %dma_wait3A_136 = tpu.memref_slice %arg5[%mul3A_4, %dma_wait3A_135] : memref<128x1024xf32, #tpu.memory_space<vmem_shared>> -> memref<8x1024xf32, #tpu.memory_space<vmem_shared>>
    tpu.wait_dma2 semaphore(%arg9 : memref<!tpu.dma_semaphore, #tpu.memory_space<semaphore_mem>>) src(%dma_wait3A_136 : memref<8x1024xf32, #tpu.memory_space<vmem_shared>>) dst(%dma_wait3A_134 : memref<8x1024xf32, #tpu.memory_space<hbm>>)
    %dma_wait3A_137 = arith.constant 3 : i32
    %dma_wait3A_138 = arith.constant 0 : i32
    %dma_wait3A_139 = tpu.memref_slice %arg3[%dma_wait3A_137, %add3A_84, %dma_wait3A_138] : memref<4x4096x1024xf32, #tpu.memory_space<hbm>> -> memref<1x8x1024xf32, #tpu.memory_space<hbm>>
    %dma_wait3A_140 = tpu.memref_squeeze %dma_wait3A_139 : memref<1x8x1024xf32, #tpu.memory_space<hbm>> -> memref<8x1024xf32, #tpu.memory_space<hbm>>
    %dma_wait3A_141 = arith.constant 0 : i32
    %dma_wait3A_142 = tpu.memref_slice %arg5[%mul3A_4, %dma_wait3A_141] : memref<128x1024xf32, #tpu.memory_space<vmem_shared>> -> memref<8x1024xf32, #tpu.memory_space<vmem_shared>>
    tpu.wait_dma2 semaphore(%arg9 : memref<!tpu.dma_semaphore, #tpu.memory_space<semaphore_mem>>) src(%dma_wait3A_142 : memref<8x1024xf32, #tpu.memory_space<vmem_shared>>) dst(%dma_wait3A_140 : memref<8x1024xf32, #tpu.memory_space<hbm>>)
    return
  }
}

</mosaic_0001>

<sc_bundles>
// kernel: kernel.3.cloned.1.call-start
scs
__scs_entry_jumppad:
0x0: {  	(pc) =	sbr.rel $0x88, $3  }
0x1: {  	(tag) =	ssettag $0x0;
	lr =	simm.s32 $0x1  }
0x2: {  	[smem:$0x3FA0] =	sst lr;
	_ =	strace $0xD0000000  }
0x3: {  	_ = 	snop  }
0x4: {  	_ = 	snop  }
0x5: {  	_ = 	snop  }
0x6: {  	_ = 	snop  }
0x7: {  	_ = 	snop  }
__scs_overlays_trampoline_lowered:
0x8: {  	[smem:$0x3FAF] =	sst s0  }
0x9: {  	[smem:$0x3FB0] =	sst s1  }
0xa: {  	[smem:$0x3FB1] =	sst s2  }
0xb: {  	[smem:$0x3FB2] =	sst s3  }
0xc: {  	[smem:$0x3FB3] =	sst s4  }
0xd: {  	[smem:$0x3FB4] =	sst s5  }
0xe: {  	[smem:$0x3FB5] =	sst s6  }
0xf: {  	[smem:$0x3FB6] =	sst s7  }
0x10: {  	[smem:$0x3FB7] =	sst s8  }
0x11: {  	[smem:$0x3FB8] =	sst s9;
	s0 =	simm.s32 @!p0 $0x0  }
0x12: {  	s1 =	sld [smem:$0x3F9E];
	s0 =	simm.s32 @p0 $0x1  }
0x13: {  	[smem:$0x3FB9] =	sst s0;
	s0 =	simm.s32 @!p1 $0x0  }
0x14: {  	s2 =	sld [smem:$0x3F9D];
	s0 =	simm.s32 @p1 $0x1  }
0x15: {  	[smem:$0x3FBA] =	sst s0;
	s0 =	simm.s32 @!p2 $0x0  }
0x16: {  	s3 =	sld [smem:$0x3FDB];
	s0 =	simm.s32 @p2 $0x1  }
0x17: {  	s4 =	simm.s32 $0x1BF5;
	[smem:$0x3FBC] =	sst s0  }
0x18: {  	s0 =	sld [smem:$0x3F9F];
	_ =	swait.ge [sflag:s4], $0x0  }
0x19: {  	s7 =	sld [smem:$0x3FA0]  }
0x1a: {  	s8 =	sadd.s32 $0xFFFFE003, lr  }
0x1b: {  	s9 =	sadd.s32 $0xFFFFFEF7, lr;
	s5 =	simm.s32 $0xFFFFFFFF;
	p2 =	slt.u32 s8, $0xFFFFF086  }
0x1c: {  	p1 =	slt.u32 s9, $0xF7A;
	s5 =	simm.s32 @!p2 $0x0  }
0x1d: {  	s5 =	simm.s32 @p1 $0x1;
	p0 =	seq.s32 s7, s2  }
0x1e: {  	s7 =	smul.u32 @!p0 $0xF7A, s2;
	p2 =	seq.s32 @!p0 s5, $0x0  }
0x1f: {  	s9 =	smul.u32 $0xF7A, s1;
	s8 =	simm.s32 @!p0 $0x1BF5;
	p2 =	por !p2, p0  }
0x20: {  	[sflag:s8] =	ssyncset.s32 @!p0 $0xFFFFF086;
	s6 =	sadd.s32 @!p0 s3, s7;
	s7 =	simm.s32 @!p0 $0x108  }
0x21: {  	s3 =	sadd.s32 s3, s9;
	s6 =	sadd.s32 @!p0 $0x88, s6;
	s7 =	simm.s32 @p2 $0x1082  }
0x22: {  	[simem:s7], [sflag:s8] =	dma.local @!p0 [hbm:s6], $0xF7A  }
0x23: {  	s9 =	sor.u32 $0xD0000000, s2;
	s6 =	simm.s32 $0x108;
	_ =	swait.ge @!p0 [sflag:s8], $0x0  }
0x24: {  	s3 =	sadd.s32 $0x88, s3;
	s6 =	simm.s32 @!p1 $0x1082;
	[sflag:s4] =	ssyncset.s32 $0xFFFFF086  }
0x25: {  	[simem:s6], [sflag:s4] =	dma.local [hbm:s3], $0xF7A  }
0x26: {  	[smem:$0x3FA0] =	sst s1;
	(tag) =	ssettag s2;
	_ =	strace s9  }
0x27: {  	s1 =	sld [smem:$0x3FB0]  }
0x28: {  	s2 =	sld [smem:$0x3FB1]  }
0x29: {  	s4 =	sld [smem:$0x3FB3]  }
0x2a: {  	p0 =	seq.s32 s5, $0x0;
	s5 =	sld [smem:$0x3FB4]  }
0x2b: {  	s6 =	sld [smem:$0x3FB5]  }
0x2c: {  	s7 =	sld [smem:$0x3FB6]  }
0x2d: {  	s3 =	simm.s32 $0x108;
	s8 =	sld [smem:$0x3FB7]  }
0x2e: {  	s3 =	simm.s32 @!p0 $0x1082;
	s9 =	sld [smem:$0x3FB8]  }
0x2f: {  	lr =	sadd.s32 s0, s3;
	s0 =	sld [smem:$0x3FAF]  }
0x30: {  	s3 =	sld [smem:$0x3FB2]  }
0x31: {  	[smem:$0x3FBB] =	sst s10  }
0x32: {  	s10 =	sld [smem:$0x3FB9];
	_ =	sdelay $0x3  }
0x33: {  	p0 =	seq.s32 s10, $0x1;
	s10 =	sld [smem:$0x3FBB];
	_ =	sdelay $0x3  }
0x34: {  	[smem:$0x3FBB] =	sst s10  }
0x35: {  	s10 =	sld [smem:$0x3FBA];
	_ =	sdelay $0x3  }
0x36: {  	p1 =	seq.s32 s10, $0x1;
	s10 =	sld [smem:$0x3FBB];
	_ =	sdelay $0x3  }
0x37: {  	[smem:$0x3FBB] =	sst s10  }
0x38: {  	s10 =	sld [smem:$0x3FBC]  }
0x39: {  	_ = 	snop;
	(pc) =	sbr.ind lr, $3  }
0x3a: {  	_ = 	snop  }
0x3b: {  	_ = 	snop  }
0x3c: {  	p2 =	seq.s32 s10, $0x1;
	s10 =	sld [smem:$0x3FBB]  }
0x3d: {  	_ =	shalt  }
0x3e: {  	_ =	shalt  }
0x3f: {  	_ =	shalt  }
0x40: {  	_ =	shalt  }
0x41: {  	_ =	shalt  }
0x42: {  	_ =	shalt  }
0x43: {  	_ =	shalt  }
0x44: {  	_ =	shalt  }
0x45: {  	_ =	shalt  }
0x46: {  	_ =	shalt  }
0x47: {  	_ =	shalt  }
0x48: {  	_ =	shalt  }
0x49: {  	_ =	shalt  }
0x4a: {  	_ =	shalt  }
0x4b: {  	_ =	shalt  }
0x4c: {  	_ =	shalt  }
0x4d: {  	_ =	shalt  }
0x4e: {  	_ =	shalt  }
0x4f: {  	_ =	shalt  }
0x50: {  	_ =	shalt  }
0x51: {  	_ =	shalt  }
0x52: {  	_ =	shalt  }
0x53: {  	_ =	shalt  }
0x54: {  	_ =	shalt  }
0x55: {  	_ =	shalt  }
0x56: {  	_ =	shalt  }
0x57: {  	_ =	shalt  }
0x58: {  	_ =	shalt  }
0x59: {  	_ =	shalt  }
0x5a: {  	_ =	shalt  }
0x5b: {  	_ =	shalt  }
0x5c: {  	_ =	shalt  }
0x5d: {  	_ =	shalt  }
0x5e: {  	_ =	shalt  }
0x5f: {  	_ =	shalt  }
0x60: {  	_ =	shalt  }
0x61: {  	_ =	shalt  }
0x62: {  	_ =	shalt  }
0x63: {  	_ =	shalt  }
0x64: {  	_ =	shalt  }
0x65: {  	_ =	shalt  }
0x66: {  	_ =	shalt  }
0x67: {  	_ =	shalt  }
0x68: {  	_ =	shalt  }
0x69: {  	_ =	shalt  }
0x6a: {  	_ =	shalt  }
0x6b: {  	_ =	shalt  }
0x6c: {  	_ =	shalt  }
0x6d: {  	_ =	shalt  }
0x6e: {  	_ =	shalt  }
0x6f: {  	_ =	shalt  }
0x70: {  	_ =	shalt  }
0x71: {  	_ =	shalt  }
0x72: {  	_ =	shalt  }
0x73: {  	_ =	shalt  }
0x74: {  	_ =	shalt  }
0x75: {  	_ =	shalt  }
0x76: {  	_ =	shalt  }
0x77: {  	_ =	shalt  }
0x78: {  	_ =	shalt  }
0x79: {  	_ =	shalt  }
0x7a: {  	_ =	shalt  }
0x7b: {  	_ =	shalt  }
0x7c: {  	_ =	shalt  }
0x7d: {  	_ =	shalt  }
0x7e: {  	_ =	shalt  }
0x7f: {  	_ =	shalt  }
0x80: {  	_ =	shalt  }
0x81: {  	_ =	shalt  }
0x82: {  	_ =	shalt  }
0x83: {  	_ =	shalt  }
0x84: {  	_ =	shalt  }
0x85: {  	_ =	shalt  }
0x86: {  	_ =	shalt  }
0x87: {  	_ =	shalt  }
.Lfunc_end0:
.L_simem_size_0:
called_computation_lowered:
.L_overlay_start_0:
0x88: {  	s2 =	sld [smem:$0x3FD9]  }
0x89: {  	s3 =	sld [smem:$0x3FFE];
	_ =	sdelay $0x1  }
0x8a: {  	s1 =	srdreg.scid  }
0x8b: {  	s0 =	sand.u32 $0x1, s1  }
0x8c: {  	s18 =	sshll.u32 s0, $0xA;
	s2 =	sadd.s32 s3, s2  }
0x8d: {  	s2 =	sadd.s32 s2, s18  }
0x8e: {  	[smem:$0x3FC7] =	sst s2  }
0x8f: {  	_ = 	snop  }
0x90: {  	s2 =	sld [smem:$0x3FC9]  }
0x91: {  	s19 =	sld [smem:$0x3FD0];
	(tm) =	ssettm $0x1  }
0x92: {  	s4 =	sld [smem:$0x3FFB];
	_ =	sdelay $0x3  }
0x93: {  	_ =	strace s4  }
0x94: {  	s4 =	sld [smem:$0x3FFC];
	_ =	sdelay $0x3  }
0x95: {  	_ =	strace s4  }
0x96: {  	s4 =	sld [smem:$0x3FFD];
	_ =	sdelay $0x3  }
0x97: {  	_ =	strace s4  }
0x98: {  	_ =	strace $0x8FFFFFFF  }
0x99: {  	s20 =	sld [smem:$0x3FDB];
	_ =	sdelay $0x1  }
0x9a: {  	s5 =	simm.s32 $_scs_section_size  }
0x9b: {  	s6 =	simm.s32 $_size__tile_overlayer_lowered;
	s7 =	simm.s32 $_tile_overlayer_lowered  }
0x9c: {  	s23 =	simm.s32 $0x1BFF;
	s22 =	sshll.u32 s7, $0x1;
	s4 =	sadd.s32 s5, s20  }
0x9d: {  	s8 =	simm.s32 $0x0;
	s21 =	sshll.u32 s6, $0x1;
	s6 =	sadd.s32 s22, s4  }
0x9e: {  	[timem:s8], [sflag:s23] =	dma.local [hbm:s6], s21  }
0x9f: {  	_ =	swait.ge [sflag:s23], s21  }
0xa0: {  	s5 =	ssub.s32 $0x0, s21;
	[sflag:s23] =	ssyncset.done $0x0  }
0xa1: {  	[sflag:s23] =	ssyncadd.s32 s5;
	_ =	sdelay $0x1  }
0xa2: {  	s24 =	simm.s32 $0x1B8B  }
0xa3: {  	_ =	swait.ge [sflag:s24], $0x1  }
0xa4: {  	[sflag:s24] =	ssyncset.done $0x0  }
0xa5: {  	s25 =	simm.s32 $0x1B8E;
	[sflag:s24] =	ssyncadd.s32 $0xFFFFFFFF  }
0xa6: {  	s26 =	simm.s32 $execute0_lowered;
	[smem:$0x3FD2] =	sst s25  }
0xa7: {  	s5 =	sshll.u32 s26, $0x1;
	_ =	strace $0x80000046;
	[dreg:$0x1] =	wrdreg $0xFFFFFFFF  }
0xa8: {  	s28 =	simm.s32 $_size_execute0_lowered;
	s4 =	sadd.s32 s4, s5;
	[dreg:$0x0] =	wrdreg $0x0  }
0xa9: {  	s5 =	sshll.u32 s28, $0x1;
	[dreg:$0x2] =	wrdreg s4  }
0xaa: {  	[dreg:$0x3] =	wrdreg s5  }
0xab: {  	[dreg:$0x4] =	wrdreg $0xC0  }
0xac: {  	_ =	task [dreg:s8], $0x5FFFF  }
0xad: {  	[dreg:$0x1] =	wrdreg $0xFFFFFFFF  }
0xae: {  	[dreg:$0x0] =	wrdreg $0x60  }
0xaf: {  	[dreg:$0x2] =	wrdreg s2  }
0xb0: {  	[dreg:$0x3] =	wrdreg s19  }
0xb1: {  	[dreg:$0x4] =	wrdreg $0x1E0000  }
0xb2: {  	[dreg:$0x5] =	wrdreg $0x9  }
0xb3: {  	_ =	task.clear_ibuf [dreg:s8], $0x6FFFF;
	_ =	strace $0x90000046  }
0xb4: {  	s29 =	simm.s32 $0x9;
	_ =	strace $0x80000048  }
0xb5: {  	_ =	swait.ge [sflag:s29], $0x1  }
0xb6: {  	[sflag:s29] =	ssyncadd.s32 $0xFFFFFFFF  }
0xb7: {  	_ =	strace $0x90000048  }
0xb8: {  	_ =	sfence  }
0xb9: {  	s30 =	sld [smem:$0x0];
	_ =	sdelay $0x2  }
0xba: {  	s31 =	sshll.u32 s1, $0xD;
	s1 =	sshrl.u32 s1, $0x2  }
0xbb: {  	s3 =	sand.u32 $0x4000, s31;
	s1 =	sadd.s32 s1, s30  }
0xbc: {  	s0 =	sor.u32 s3, s0;
	s1 =	sshll.u32 s1, $0x11  }
0xbd: {  	s0 =	sor.u32 s1, s0  }
0xbe: {  	s0 =	sadd.s32 $0x8F2B, s0  }
0xbf: {  	[sflag:s0] =	ssyncadd.remote.s32 $0x1  }
0xc0: {  	_ =	sfence.sel $0xFFFF  }
0xc1: {  	[dreg:$0x0] =	wrdreg $0xFFFFFFFF;
	(pc) =	sbr.abs _section_cstart, $3  }
0xc2: {  	[dreg:$0x1] =	wrdreg $0xFFFFFFFF  }
0xc3: {  	_ =	task.clear_ibuf [dreg:s8], $0x2FFFF;
	_ =	strace $0x9FFFFFFF  }
0xc4: {  	(tm) =	ssettm $0x7FFFFFFF  }
0xc5: {  	_ =	shalt  }
tec
execute0_lowered:
.L_overlay_start_1:
0x0: {  	(tag) =	ssettag $0x1  }
0x1: {  	s5 =	rddreg [dreg:$0x0]  }
0x2: {  	s13 =	rddreg [dreg:$0x1]  }
0x3: {  	s4 =	rddreg [dreg:$0x2]  }
0x4: {  	s0 =	rddreg [dreg:$0x3]  }
0x5: {  	s3 =	srdreg.scid;
	s2 =	simm.s32 $0x0;
	s1 =	stileid.u32  }
0x6: {  	s7 =	simm.s32 $0x1;
	s20 =	sand.u32 $0x1, s3;
	[smem:$0x7FF] =	sst s2  }
0x7: {  	s30 =	sshll.u32 s1, $0xF;
	s17 =	sshll.u32 s1, $0x6;
	s6 =	sshll.u32 s20, $0xE  }
0x8: {  	_ =	strace $0x80000047;
	s31 =	sshrl.u32 s30, $0x2;
	s8 =	sor.u32 s6, s30  }
0x9: {  	s6 =	sadd.s32 s31, s4;
	s4 =	sor.u32 $0x1C02, s17;
	s14 =	sor.u32 $0x3C00, s8  }
0xa: {  	s6 =	sshrl.u32 s6, $0x3;
	s3 =	sadd.s32 s5, s14;
	s5 =	sadd.s32 s5, s8  }
0xb: {  	[spmem:s6], [sflag:s4] =	dma.local [hbm:s3], $0x400  }
0xc: {  	[tilespmem:s2], [sflag:$0x1] =	stream.linear.gather [hbm4b:s5+s2], $0x1E000, $0x38;
	v63 =	vld [tilespmem:$0x0]  }
0xd: {  	_ =	swait.ge [sflag:s7], $0x1E000  }
0xe: {  	[sflag:s7] =	ssyncset.done $0x0  }
0xf: {  	s8 =	sadd.s32 s13, s8;
	[sflag:s7] =	ssyncadd.s32 $0xFFFE2000  }
0x10: {  	[hbm4b:s8+s2] =	stream.linear.scatter [tilespmem:s2], [sflag:$0x3], $0x1E000, $0x38;
	v63 =	vld [tilespmem:$0x0]  }
0x11: {  	s9 =	sadd.s32 $0x80000, s8  }
0x12: {  	[hbm4b:s9+s2] =	stream.linear.scatter [tilespmem:s2], [sflag:$0x3], $0x1E000, $0x38;
	v63 =	vld [tilespmem:$0x0]  }
0x13: {  	s10 =	sadd.s32 $0x100000, s8  }
0x14: {  	[hbm4b:s10+s2] =	stream.linear.scatter [tilespmem:s2], [sflag:$0x3], $0x1E000, $0x38;
	v63 =	vld [tilespmem:$0x0]  }
0x15: {  	s12 =	simm.s32 $0x2;
	s11 =	sadd.s32 $0x180000, s8  }
0x16: {  	[hbm4b:s11+s2] =	stream.linear.scatter [tilespmem:s2], [sflag:$0x3], $0x1E000, $0x38;
	v63 =	vld [tilespmem:$0x0]  }
0x17: {  	s18 =	simm.s32 $0x3;
	s17 =	sor.u32 $0x1C04, s17;
	_ =	swait.ge [sflag:s12], $0x400  }
0x18: {  	s13 =	sadd.s32 s13, s14;
	s15 =	sadd.s32 $0x103C00, s8;
	[sflag:s12] =	ssyncset.done $0x0  }
0x19: {  	s14 =	sadd.s32 $0x83C00, s8;
	s16 =	sadd.s32 $0x183C00, s8;
	[sflag:s12] =	ssyncadd.s32 $0xFFFFFC00  }
0x1a: {  	[hbm:s13], [sflag:s17] =	dma.local [spmem:s6], $0x400  }
0x1b: {  	[hbm:s14], [sflag:s17] =	dma.local [spmem:s6], $0x400  }
0x1c: {  	[hbm:s15], [sflag:s17] =	dma.local [spmem:s6], $0x400  }
0x1d: {  	[hbm:s16], [sflag:s17] =	dma.local [spmem:s6], $0x400  }
0x1e: {  	_ =	swait.ge [sflag:s18], $0x1E000  }
0x1f: {  	[sflag:s18] =	ssyncset.done $0x0  }
0x20: {  	[sflag:s18] =	ssyncadd.s32 $0xFFFE2000  }
0x21: {  	_ =	swait.ge [sflag:s18], $0x1E000  }
0x22: {  	[sflag:s18] =	ssyncset.done $0x0  }
0x23: {  	[sflag:s18] =	ssyncadd.s32 $0xFFFE2000  }
0x24: {  	_ =	swait.ge [sflag:s18], $0x1E000  }
0x25: {  	[sflag:s18] =	ssyncset.done $0x0  }
0x26: {  	[sflag:s18] =	ssyncadd.s32 $0xFFFE2000  }
0x27: {  	_ =	swait.ge [sflag:s18], $0x1E000  }
0x28: {  	[sflag:s18] =	ssyncset.done $0x0  }
0x29: {  	s19 =	simm.s32 $0x4;
	[sflag:s18] =	ssyncadd.s32 $0xFFFE2000  }
0x2a: {  	_ =	swait.ge [sflag:s19], $0x400  }
0x2b: {  	s20 =	ssub.s32 $0x2, s20;
	[sflag:s19] =	ssyncset.done $0x0  }
0x2c: {  	s21 =	sshrl.u32 s20, $0x1;
	[sflag:s19] =	ssyncadd.s32 $0xFFFFFC00  }
0x2d: {  	s20 =	ssub.s32 s20, s21;
	_ =	swait.ge [sflag:s19], $0x400  }
0x2e: {  	s20 =	smax.u32 s20, $0x1;
	[sflag:s19] =	ssyncset.done $0x0  }
0x2f: {  	p0 =	sne.s32 s20, $0x1;
	[sflag:s19] =	ssyncadd.s32 $0xFFFFFC00  }
.Ltmp0:
0x30: {  	_ =	swait.ge [sflag:s19], $0x400;
	(pc) =	sbr.rel @!p0 .LBB2_2-.Ltmp0, $4  }
0x31: {  	[sflag:s19] =	ssyncset.done $0x0  }
0x32: {  	[sflag:s19] =	ssyncadd.s32 $0xFFFFFC00  }
0x33: {  	_ =	swait.ge [sflag:s19], $0x400  }
0x34: {  	s20 =	sadd.s32 $0xFFFFFFFF, s20;
	[sflag:s19] =	ssyncset.done $0x0  }
.LBB2_1:
0x35: {  	p0 =	sne.s32 s20, $0x1;
	s20 =	sadd.s32 $0xFFFFFFFF, s20;
	[sflag:s19] =	ssyncadd.s32 $0xFFFFFC00  }
0x36: {  	[spmem:s6], [sflag:s4] =	dma.local [hbm:s3], $0x400  }
0x37: {  	[tilespmem:s2], [sflag:$0x1] =	stream.linear.gather [hbm4b:s5+s2], $0x1E000, $0x38;
	v63 =	vld [tilespmem:$0x0]  }
0x38: {  	_ =	swait.ge [sflag:s7], $0x1E000  }
0x39: {  	[sflag:s7] =	ssyncset.done $0x0  }
0x3a: {  	[sflag:s7] =	ssyncadd.s32 $0xFFFE2000  }
0x3b: {  	[hbm4b:s8+s2] =	stream.linear.scatter [tilespmem:s2], [sflag:$0x3], $0x1E000, $0x38;
	v63 =	vld [tilespmem:$0x0]  }
0x3c: {  	_ = 	snop  }
0x3d: {  	[hbm4b:s9+s2] =	stream.linear.scatter [tilespmem:s2], [sflag:$0x3], $0x1E000, $0x38;
	v63 =	vld [tilespmem:$0x0]  }
0x3e: {  	_ = 	snop  }
0x3f: {  	[hbm4b:s10+s2] =	stream.linear.scatter [tilespmem:s2], [sflag:$0x3], $0x1E000, $0x38;
	v63 =	vld [tilespmem:$0x0]  }
0x40: {  	_ = 	snop  }
0x41: {  	[hbm4b:s11+s2] =	stream.linear.scatter [tilespmem:s2], [sflag:$0x3], $0x1E000, $0x38;
	v63 =	vld [tilespmem:$0x0]  }
0x42: {  	_ =	swait.ge [sflag:s12], $0x400  }
0x43: {  	[sflag:s12] =	ssyncset.done $0x0  }
0x44: {  	[sflag:s12] =	ssyncadd.s32 $0xFFFFFC00  }
0x45: {  	[hbm:s13], [sflag:s17] =	dma.local [spmem:s6], $0x400  }
0x46: {  	[hbm:s14], [sflag:s17] =	dma.local [spmem:s6], $0x400  }
0x47: {  	[hbm:s15], [sflag:s17] =	dma.local [spmem:s6], $0x400  }
0x48: {  	[hbm:s16], [sflag:s17] =	dma.local [spmem:s6], $0x400  }
0x49: {  	_ =	swait.ge [sflag:s18], $0x1E000  }
0x4a: {  	[sflag:s18] =	ssyncset.done $0x0  }
0x4b: {  	[sflag:s18] =	ssyncadd.s32 $0xFFFE2000  }
0x4c: {  	_ =	swait.ge [sflag:s18], $0x1E000  }
0x4d: {  	[sflag:s18] =	ssyncset.done $0x0  }
0x4e: {  	[sflag:s18] =	ssyncadd.s32 $0xFFFE2000  }
0x4f: {  	_ =	swait.ge [sflag:s18], $0x1E000  }
0x50: {  	[sflag:s18] =	ssyncset.done $0x0  }
0x51: {  	[sflag:s18] =	ssyncadd.s32 $0xFFFE2000  }
0x52: {  	_ =	swait.ge [sflag:s18], $0x1E000  }
0x53: {  	[sflag:s18] =	ssyncset.done $0x0  }
0x54: {  	[sflag:s18] =	ssyncadd.s32 $0xFFFE2000  }
0x55: {  	_ =	swait.ge [sflag:s19], $0x400  }
0x56: {  	[sflag:s19] =	ssyncset.done $0x0  }
0x57: {  	[sflag:s19] =	ssyncadd.s32 $0xFFFFFC00  }
0x58: {  	_ =	swait.ge [sflag:s19], $0x400  }
0x59: {  	[sflag:s19] =	ssyncset.done $0x0  }
0x5a: {  	[sflag:s19] =	ssyncadd.s32 $0xFFFFFC00  }
.Ltmp1:
0x5b: {  	_ =	swait.ge [sflag:s19], $0x400;
	(pc) =	sbr.rel @p0 .LBB2_1-.Ltmp1, $4  }
0x5c: {  	[sflag:s19] =	ssyncset.done $0x0  }
0x5d: {  	[sflag:s19] =	ssyncadd.s32 $0xFFFFFC00  }
0x5e: {  	_ =	swait.ge [sflag:s19], $0x400  }
0x5f: {  	[sflag:s19] =	ssyncset.done $0x0  }
.LBB2_2:
0x60: {  	[sflag:s19] =	ssyncadd.s32 $0xFFFFFC00  }
0x61: {  	_ =	sfence.sel $0x180000  }
0x62: {  	[bflag:$0x0] =	sbarrier.arrive $0xFFFF  }
0x63: {  	p0 =	sne.s32 s1, $0x0;
	_ =	strace $0x90000047  }
0x64: {  	s0 =	sadd.s32 @!p0 $0x100000, s0;
	[bflag:$0x2] =	sbarrier.arrive $0xFFFF  }
0x65: {  	[sflag:s0] =	ssyncadd.tile.s32 @!p0 $0x1;
	_ =	shalt  }
.Lfunc_end2:
_tile_overlayer_lowered:
.L_overlay_start_2:
0x66: {  	(tag) =	ssettag $0x2  }
0x67: {  	s0 =	rddreg [dreg:$0x0];
	s2 =	stileid.u32  }
0x68: {  	s1 =	rddreg [dreg:$0x1];
	p0 =	sne.s32 s2, $0x0  }
0x69: {  	s3 =	rddreg [dreg:$0x2];
	[bflag:$0x3] =	sbarrier.arrive $0xFFFF;
	s2 =	simm.s32 @!p0 $0x1C05  }
0x6a: {  	[timem:s3], [sflag:s2] =	dma.local @!p0 [hbm:s0], s1  }
0x6b: {  	s0 =	simm.s32 @!p0 $0x5  }
0x6c: {  	_ =	swait.ge @!p0 [sflag:s0], s1  }
0x6d: {  	s1 =	ssub.s32 @!p0 $0x0, s1;
	[sflag:s0] =	ssyncset.done @!p0 $0x0  }
0x6e: {  	[sflag:s0] =	ssyncadd.s32 @!p0 s1  }
0x6f: {  	[bflag:$0x3] =	sbarrier.arrive $0xFFFF  }
0x70: {  	_ =	shalt  }

</sc_bundles>
